<compile_context>
chip_gen: v7x
topology: tpu7x:2x2x1
jax: 0.10.2.dev20260603
libtpu: 0.0.44.dev20260713+nightly
codegen_flags: <defaults>
</compile_context>

<pallas_src>
import functools

import jax
import jax.numpy as jnp
from jax import lax
from jax.experimental import pallas as pl
from jax.experimental.pallas import tpu as pltpu
from jax.experimental.pallas import tpu_sc as plsc

HIDDEN = 768
FFN = 3072
E = 8
N_TOK = 1024
NA = 2 * N_TOK
TBR = 128
NS = 24
NW = 32
GPT = (NS * TBR) // NW
TPT = N_TOK // NW


def _router_body(x_ref, wg_ref, ei_ref, ew_ref):
    x = x_ref[...]
    logits = lax.dot_general(x, wg_ref[...], (((1,), (1,)), ((), ())),
                             preferred_element_type=jnp.float32)
    m = jax.nn.softmax(logits, axis=-1)
    i1 = jnp.argmax(m, axis=-1).astype(jnp.int32)
    w1 = jnp.max(m, axis=-1)
    col = lax.broadcasted_iota(jnp.int32, m.shape, 1)
    m2 = jnp.where(col == i1[:, None], -jnp.inf, m)
    i2 = jnp.argmax(m2, axis=-1).astype(jnp.int32)
    w2 = jnp.max(m2, axis=-1)
    d = w1 + w2
    ei_ref[0, :] = i1
    ei_ref[1, :] = i2
    ew_ref[0, :] = w1 / d
    ew_ref[1, :] = w2 / d


def _router(x, Wg):
    return pl.pallas_call(
        _router_body,
        out_shape=(
            jax.ShapeDtypeStruct((2, N_TOK), jnp.int32),
            jax.ShapeDtypeStruct((2, N_TOK), jnp.float32),
        ),
    )(x, Wg)


def _sort_body(eid_hbm, stok_hbm, pos_hbm, sexp_hbm, nb_hbm,
               eid_v, stok_v, sa_v, pos_v, sexp_v, nb_v):
    cid = lax.axis_index("c")
    sid = lax.axis_index("s")

    @pl.when(jnp.logical_and(cid == 0, sid == 0))
    def _():
        pltpu.sync_copy(eid_hbm, eid_v)
        ioto = lax.iota(jnp.int32, 16)
        zeros = jnp.zeros((16,), jnp.int32)

        def initloop(i, _):
            stok_v[pl.ds(i * 16, 16)] = zeros
            sa_v[pl.ds(i * 16, 16)] = zeros + NA
            return 0
        lax.fori_loop(0, (NS * TBR + 16) // 16, initloop, 0)

        def histloop(i, cnts):
            v = eid_v[pl.ds(i * 16, 16)]
            return tuple(
                cnts[e] + plsc.all_reduce_population_count(v == e)
                for e in range(E))
        cnts = lax.fori_loop(
            0, NA // 16, histloop,
            tuple(jnp.zeros((16,), jnp.int32) for _ in range(E)))
        counts = [cnts[e][0] for e in range(E)]
        nbs = [(counts[e] + (TBR - 1)) >> 7 for e in range(E)]
        starts = []
        acc = jnp.int32(0)
        for e in range(E):
            starts.append(acc)
            acc = acc + nbs[e]
        num_blocks = acc
        ends = [starts[e] + nbs[e] for e in range(E)]

        for r in range(2):
            sl = ioto + r * 16
            ecnt = zeros
            for e in range(E):
                ecnt = ecnt + jnp.where(ends[e] <= sl, 1, 0)
            sexp_v[pl.ds(r * 16, 16)] = jnp.minimum(ecnt, E - 1)
        nb_v[...] = zeros + num_blocks

        for e in range(E):
            def p2loop(i, c, e=e):
                v = eid_v[pl.ds(i * 16, 16)]
                a_vec = ioto + i * 16
                m = v == e
                plsc.store_compressed(stok_v.at[pl.ds(c, 16)],
                                      a_vec & (N_TOK - 1), mask=m)
                plsc.store_compressed(sa_v.at[pl.ds(c, 16)], a_vec, mask=m)
                return c + plsc.all_reduce_population_count(m)[0]
            lax.fori_loop(0, NA // 16, p2loop, starts[e] * TBR)

        def invloop(j, _):
            av = sa_v[pl.ds(j * 16, 16)]
            plsc.store_scatter(pos_v, [av], ioto + j * 16)
            return 0
        lax.fori_loop(0, (NS * TBR) // 16, invloop, 0)

        pltpu.sync_copy(stok_v.at[pl.ds(0, NS * TBR)], stok_hbm)
        pltpu.sync_copy(pos_v.at[pl.ds(0, NA)], pos_hbm)
        pltpu.sync_copy(sexp_v, sexp_hbm)
        pltpu.sync_copy(nb_v, nb_hbm)


def _sort(eid):
    return pl.kernel(
        _sort_body,
        out_type=(
            jax.ShapeDtypeStruct((NS * TBR,), jnp.int32),
            jax.ShapeDtypeStruct((NA,), jnp.int32),
            jax.ShapeDtypeStruct((32,), jnp.int32),
            jax.ShapeDtypeStruct((16,), jnp.int32),
        ),
        mesh=plsc.VectorSubcoreMesh(core_axis_name="c", subcore_axis_name="s"),
        compiler_params=pltpu.CompilerParams(needs_layout_passes=False),
        scratch_types=[
            pltpu.VMEM((NA,), jnp.int32),
            pltpu.VMEM((NS * TBR + 16,), jnp.int32),
            pltpu.VMEM((NS * TBR + 16,), jnp.int32),
            pltpu.VMEM((NA + 16,), jnp.int32),
            pltpu.VMEM((32,), jnp.int32),
            pltpu.VMEM((16,), jnp.int32),
        ],
    )(eid)


def _gather_body(stok_hbm, nb_hbm, x_hbm, xs_hbm, idx_v, rows_v, nb_v, sem):
    wid = lax.axis_index("s") * 2 + lax.axis_index("c")
    base = wid * GPT
    pltpu.sync_copy(nb_hbm, nb_v)
    nrows = nb_v[pl.ds(0, 16)][0] * TBR

    @pl.when(base < nrows)
    def _():
        pltpu.sync_copy(stok_hbm.at[pl.ds(base, GPT)], idx_v)
        copies = [
            pltpu.async_copy(x_hbm.at[idx_v.at[pl.ds(k * 8, 8)]],
                             rows_v.at[pl.ds(k * 8, 8)], sem)
            for k in range(GPT // 8)
        ]
        for cp in copies:
            cp.wait()
        pltpu.sync_copy(rows_v, xs_hbm.at[pl.ds(base, GPT)])


def _gather(stok, nbv, x):
    return pl.kernel(
        _gather_body,
        out_type=jax.ShapeDtypeStruct((NS * TBR, HIDDEN // 2), jnp.int32),
        mesh=plsc.VectorSubcoreMesh(core_axis_name="c", subcore_axis_name="s"),
        scratch_types=[
            pltpu.VMEM((GPT,), jnp.int32),
            pltpu.VMEM((GPT, HIDDEN // 2), jnp.int32),
            pltpu.VMEM((16,), jnp.int32),
            pltpu.SemaphoreType.DMA,
        ],
    )(stok, nbv, x)


def _mlp_body(sexp_ref, nb_ref, xs_ref, w1_ref, w2_ref, w3_ref, ys_ref):
    s = pl.program_id(0)

    @pl.when(s < nb_ref[0])
    def _():
        xi = xs_ref[...]
        lo = lax.bitcast_convert_type(xi << 16, jnp.float32)
        hi = lax.bitcast_convert_type(xi & jnp.int32(-65536), jnp.float32)
        x = jnp.concatenate([lo, hi], axis=1)
        h1 = jnp.maximum(
            lax.dot_general(x, w1_ref[0], (((1,), (1,)), ((), ())),
                            preferred_element_type=jnp.float32), 0.0)
        h2 = jnp.maximum(
            lax.dot_general(h1, w2_ref[0], (((1,), (1,)), ((), ())),
                            preferred_element_type=jnp.float32), 0.0)
        ys_ref[...] = lax.dot_general(h2, w3_ref[0], (((1,), (1,)), ((), ())),
                                      preferred_element_type=jnp.float32)


def _mlp(sexp, nbv, xs, W1, W2, W3):
    grid_spec = pltpu.PrefetchScalarGridSpec(
        num_scalar_prefetch=2,
        grid=(NS,),
        in_specs=[
            pl.BlockSpec((TBR, HIDDEN // 2), lambda s, se, nb: (s, 0)),
            pl.BlockSpec((1, HIDDEN, HIDDEN), lambda s, se, nb: (se[s], 0, 0)),
            pl.BlockSpec((1, HIDDEN, HIDDEN), lambda s, se, nb: (se[s], 0, 0)),
            pl.BlockSpec((1, FFN, HIDDEN), lambda s, se, nb: (se[s], 0, 0)),
        ],
        out_specs=pl.BlockSpec((TBR, FFN), lambda s, se, nb: (s, 0)),
    )
    return pl.pallas_call(
        _mlp_body,
        grid_spec=grid_spec,
        out_shape=jax.ShapeDtypeStruct((NS * TBR, FFN), jnp.float32),
        compiler_params=pltpu.CompilerParams(
            dimension_semantics=("arbitrary",),
            vmem_limit_bytes=100 * 1024 * 1024,
        ),
    )(sexp, nbv, xs, W1, W2, W3)


_CCH = 8
_NCH = TPT // _CCH


def _combine_body(pos_hbm, wgt_hbm, ys_hbm, out_hbm,
                  p0_v, p1_v, w0_v, w1_v,
                  rA0, rB0, rA1, rB1, acc0, sem, osem):
    wid = lax.axis_index("s") * 2 + lax.axis_index("c")
    tb = wid * TPT
    pltpu.sync_copy(pos_hbm.at[pl.ds(tb, TPT)], p0_v)
    pltpu.sync_copy(pos_hbm.at[pl.ds(N_TOK + tb, TPT)], p1_v)
    pltpu.sync_copy(wgt_hbm.at[pl.ds(tb, TPT)], w0_v)
    pltpu.sync_copy(wgt_hbm.at[pl.ds(N_TOK + tb, TPT)], w1_v)
    w0a = w0_v[pl.ds(0, 16)]
    w0b = w0_v[pl.ds(16, 16)]
    w1a = w1_v[pl.ds(0, 16)]
    w1b = w1_v[pl.ds(16, 16)]
    rows = [(rA0, rB0), (rA1, rB1)]

    def fire(c, buf):
        A, B = rows[buf]
        ca = pltpu.async_copy(ys_hbm.at[p0_v.at[pl.ds(c * _CCH, _CCH)]], A, sem)
        cb = pltpu.async_copy(ys_hbm.at[p1_v.at[pl.ds(c * _CCH, _CCH)]], B, sem)
        return ca, cb

    pend = fire(0, 0)
    ocopy = None
    for c in range(_NCH):
        nxt = fire(c + 1, (c + 1) % 2) if c + 1 < _NCH else None
        pend[0].wait()
        pend[1].wait()
        A, B = rows[c % 2]
        acc = acc0
        if ocopy is not None:
            ocopy.wait()
        wa = [(w0a if c * _CCH + j < 16 else w0b)[(c * _CCH + j) % 16]
              for j in range(_CCH)]
        wb = [(w1a if c * _CCH + j < 16 else w1b)[(c * _CCH + j) % 16]
              for j in range(_CCH)]

        def addloop(r, _, A=A, B=B, acc=acc, wa=wa, wb=wb):
            for j in range(_CCH):
                acc[j, pl.ds(r * 16, 16)] = (
                    A[j, pl.ds(r * 16, 16)] * wa[j]
                    + B[j, pl.ds(r * 16, 16)] * wb[j])
            return 0
        lax.fori_loop(0, FFN // 16, addloop, 0, unroll=4)
        ocopy = pltpu.async_copy(
            acc, out_hbm.at[pl.ds(tb + c * _CCH, _CCH)], osem)
        pend = nxt
    ocopy.wait()


def _combine(pos, wgt, ys):
    return pl.kernel(
        _combine_body,
        out_type=jax.ShapeDtypeStruct((N_TOK, FFN), jnp.float32),
        mesh=plsc.VectorSubcoreMesh(core_axis_name="c", subcore_axis_name="s"),
        scratch_types=[
            pltpu.VMEM((TPT,), jnp.int32),
            pltpu.VMEM((TPT,), jnp.int32),
            pltpu.VMEM((TPT,), jnp.float32),
            pltpu.VMEM((TPT,), jnp.float32),
            pltpu.VMEM((_CCH, FFN), jnp.float32),
            pltpu.VMEM((_CCH, FFN), jnp.float32),
            pltpu.VMEM((_CCH, FFN), jnp.float32),
            pltpu.VMEM((_CCH, FFN), jnp.float32),
            pltpu.VMEM((_CCH, FFN), jnp.float32),
            pltpu.SemaphoreType.DMA,
            pltpu.SemaphoreType.DMA,
        ],
    )(pos, wgt, ys)


def _we_body(eid_hbm, wgt_hbm, we_hbm, eid_v, wgt_v, we_v):
    cid = lax.axis_index("c")
    sid = lax.axis_index("s")

    @pl.when(jnp.logical_and(cid == 0, sid == 0))
    def _():
        pltpu.sync_copy(eid_hbm, eid_v)
        pltpu.sync_copy(wgt_hbm, wgt_v)
        ioto = lax.iota(jnp.int32, 16)
        zf = jnp.zeros((16,), jnp.float32)

        def initloop(i, _):
            we_v[pl.ds(i * 16, 16)] = zf
            return 0
        lax.fori_loop(0, (N_TOK * E) // 16, initloop, 0)

        def scatloop(i, _):
            v = eid_v[pl.ds(i * 16, 16)]
            w = wgt_v[pl.ds(i * 16, 16)]
            a_vec = ioto + i * 16
            idx = (a_vec & (N_TOK - 1)) * E + v
            plsc.store_scatter(we_v, [idx], w)
            return 0
        lax.fori_loop(0, NA // 16, scatloop, 0)
        pltpu.sync_copy(we_v, we_hbm)


def _wescatter(eid, wgt):
    return pl.kernel(
        _we_body,
        out_type=jax.ShapeDtypeStruct((N_TOK * E,), jnp.float32),
        mesh=plsc.VectorSubcoreMesh(core_axis_name="c", subcore_axis_name="s"),
        compiler_params=pltpu.CompilerParams(needs_layout_passes=False),
        scratch_types=[
            pltpu.VMEM((NA,), jnp.int32),
            pltpu.VMEM((NA,), jnp.float32),
            pltpu.VMEM((N_TOK * E,), jnp.float32),
        ],
    )(eid, wgt)


def _dense_body(xb_ref, we_ref, w1_ref, w2_ref, w3_ref, out_ref):
    e = pl.program_id(0)
    w1 = w1_ref[0].astype(jnp.bfloat16)
    w2 = w2_ref[0].astype(jnp.bfloat16)
    w3 = w3_ref[0].astype(jnp.bfloat16)
    x = xb_ref[...]
    h1 = jnp.maximum(
        lax.dot_general(x, w1, (((1,), (1,)), ((), ())),
                        preferred_element_type=jnp.float32),
        0.0).astype(jnp.bfloat16)
    h2 = jnp.maximum(
        lax.dot_general(h1, w2, (((1,), (1,)), ((), ())),
                        preferred_element_type=jnp.float32), 0.0)
    we = we_ref[...]
    col = lax.broadcasted_iota(jnp.int32, we.shape, 1)
    wcol = jnp.sum(jnp.where(col == e, we, 0.0), axis=1, keepdims=True)
    h2w = (h2 * wcol).astype(jnp.bfloat16)
    y = lax.dot_general(h2w, w3, (((1,), (1,)), ((), ())),
                        preferred_element_type=jnp.float32)

    @pl.when(e == 0)
    def _init():
        out_ref[...] = y

    @pl.when(e != 0)
    def _acc():
        out_ref[...] += y


def _dense_mlp(xb, we, W1, W2, W3):
    return pl.pallas_call(
        _dense_body,
        grid=(E,),
        in_specs=[
            pl.BlockSpec((N_TOK, HIDDEN), lambda e: (0, 0)),
            pl.BlockSpec((N_TOK, E), lambda e: (0, 0)),
            pl.BlockSpec((1, HIDDEN, HIDDEN), lambda e: (e, 0, 0)),
            pl.BlockSpec((1, HIDDEN, HIDDEN), lambda e: (e, 0, 0)),
            pl.BlockSpec((1, FFN, HIDDEN), lambda e: (e, 0, 0)),
        ],
        out_specs=pl.BlockSpec((N_TOK, FFN), lambda e: (0, 0)),
        out_shape=jax.ShapeDtypeStruct((N_TOK, FFN), jnp.float32),
        compiler_params=pltpu.CompilerParams(
            dimension_semantics=("arbitrary",),
            vmem_limit_bytes=110 * 1024 * 1024,
        ),
    )(xb, we, W1, W2, W3)


def kernel(hidden_states, Wg, W1, W2, W3):
    b, ch, h, w = hidden_states.shape
    x = jnp.transpose(hidden_states, (0, 2, 3, 1)).reshape(-1, ch)
    ei, ew = _router(x, Wg)
    eid = ei.reshape(NA)
    wgt = ew.reshape(NA)
    we = _wescatter(eid, wgt).reshape(N_TOK, E)
    out_flat = _dense_mlp(x.astype(jnp.bfloat16), we, W1, W2, W3)
    out = out_flat.reshape(b, h, w, FFN)
    return jnp.transpose(out, (0, 3, 1, 2))

# --- scband reference (transcript-rebuilt; emitter-appended) ---
"""Pipeline reference for scband-moe-block-35175782154270 (READ-ONLY COPY).

The authoritative reference and input builder live on the scoring server;
editing this copy changes nothing except your own understanding.
"""

import jax, jax.numpy as jnp
import numpy as np

HIDDEN = 768
FFN = 3072
E = 8
TOPK = 2
B, H, W = 4, 16, 16


def setup_inputs(seed: int = 0) -> dict:
    key = jax.random.key(seed)
    k1, k2, k3, k4, k5 = jax.random.split(key, 5)
    s = 1.0 / np.sqrt(HIDDEN)
    hidden_states = jax.random.normal(k1, (B, HIDDEN, H, W), dtype=jnp.float32)
    Wg = jax.random.normal(k2, (E, HIDDEN), dtype=jnp.float32) * s
    W1 = jax.random.normal(k3, (E, HIDDEN, HIDDEN), dtype=jnp.float32) * s
    W2 = jax.random.normal(k4, (E, HIDDEN, HIDDEN), dtype=jnp.float32) * s
    W3 = jax.random.normal(k5, (E, FFN, HIDDEN), dtype=jnp.float32) * s
    return {"hidden_states": hidden_states, "Wg": Wg, "W1": W1, "W2": W2, "W3": W3}


def reference(hidden_states, Wg, W1, W2, W3):
    b, c, h, w = hidden_states.shape
    x = jnp.transpose(hidden_states, (0, 2, 3, 1)).reshape(-1, c)
    router_logits = x @ Wg.T
    routing_weights = jax.nn.softmax(router_logits.astype(jnp.float32), axis=1)
    topw, topi = jax.lax.top_k(routing_weights, TOPK)
    topw = topw / jnp.sum(topw, axis=-1, keepdims=True)
    topw = topw.astype(x.dtype)
    final = jnp.zeros((x.shape[0], W3.shape[1]), dtype=x.dtype)
    for e in range(E):
        we = jnp.sum(jnp.where(topi == e, topw, jnp.zeros_like(topw)), axis=-1)
        cur = jax.nn.relu(x @ W1[e].T)
        cur = jax.nn.relu(cur @ W2[e].T)
        cur = cur @ W3[e].T
        final = final + cur * we[:, None]
    out = final.reshape(b, h, w, -1)
    out = jnp.transpose(out, (0, 3, 1, 2))
    return out

if __name__ == "__main__":
    import jax
    _d = setup_inputs()
    print(jax.jit(kernel)(*tuple(_d.values())))

</pallas_src>

<mosaic_0001>
#map = affine_map<(d0, d1) -> (0)>
module attributes {stable_mosaic.version = 14 : i64} {
  func.func @_we_body(%arg0: i32, %arg1: i32, %arg2: memref<2048xi32, #tpu.memory_space<hbm>>, %arg3: memref<2048xf32, #tpu.memory_space<hbm>>, %arg4: memref<8192xf32, #tpu.memory_space<hbm>>, %arg5: memref<2048xi32, #tpu.memory_space<vmem>>, %arg6: memref<2048xf32, #tpu.memory_space<vmem>>, %arg7: memref<8192xf32, #tpu.memory_space<vmem>>) attributes {dimension_semantics = [#tpu.dimension_semantics<core_parallel>, #tpu.dimension_semantics<subcore_parallel>], iteration_bounds = array<i64: 2, 16>, scalar_prefetch = 0 : i64, scratch_operands = 3 : i64, tpu.core_type = #tpu.core_type<sc_vector_subcore>, window_params = [{transform_indices = #map}, {transform_indices = #map}, {transform_indices = #map}]} {
    %eq3A = arith.constant 0 : i32
    %eq3A_0 = arith.cmpi eq, %arg0, %eq3A : i32
    %eq3A_1 = arith.constant 0 : i32
    %eq3A_2 = arith.cmpi eq, %arg1, %eq3A_1 : i32
    %and3A = arith.andi %eq3A_0, %eq3A_2 : i1
    %convert_element_type3A = arith.extui %and3A : i1 to i32
    %cond3A = arith.constant 0 : i32
    %cond3A_3 = arith.cmpi ne, %convert_element_type3A, %cond3A : i32
    scf.if %cond3A_3 {
      "tpu.region"() ({
        %run_scoped3A = tpu.sem_alloc : memref<!tpu.dma_semaphore, #tpu.memory_space<semaphore_mem>>
        tpu.enqueue_dma source(%arg2 : memref<2048xi32, #tpu.memory_space<hbm>>) target(%arg5 : memref<2048xi32, #tpu.memory_space<vmem>>) target_semaphore(%run_scoped3A : memref<!tpu.dma_semaphore, #tpu.memory_space<semaphore_mem>>)
        tpu.wait_dma2 semaphore(%run_scoped3A : memref<!tpu.dma_semaphore, #tpu.memory_space<semaphore_mem>>) src(%arg2 : memref<2048xi32, #tpu.memory_space<hbm>>) dst(%arg5 : memref<2048xi32, #tpu.memory_space<vmem>>)
        tpu.yield
      }) : () -> ()
      "tpu.region"() ({
        %run_scoped3A = tpu.sem_alloc : memref<!tpu.dma_semaphore, #tpu.memory_space<semaphore_mem>>
        tpu.enqueue_dma source(%arg3 : memref<2048xf32, #tpu.memory_space<hbm>>) target(%arg6 : memref<2048xf32, #tpu.memory_space<vmem>>) target_semaphore(%run_scoped3A : memref<!tpu.dma_semaphore, #tpu.memory_space<semaphore_mem>>)
        tpu.wait_dma2 semaphore(%run_scoped3A : memref<!tpu.dma_semaphore, #tpu.memory_space<semaphore_mem>>) src(%arg3 : memref<2048xf32, #tpu.memory_space<hbm>>) dst(%arg6 : memref<2048xf32, #tpu.memory_space<vmem>>)
        tpu.yield
      }) : () -> ()
      %iota3A = tpu.iota {dimensions = array<i32: 0>} : vector<16xi32>
      %broadcast_in_dim3A = arith.constant 0.000000e+00 : f32
      %broadcast_in_dim3A_4 = vector.broadcast %broadcast_in_dim3A : f32 to vector<16xf32>
      %scan3A = arith.constant 0 : i32
      %scan3A_5 = arith.constant 0 : i32
      %scan3A_6 = arith.constant 512 : i32
      %scan3A_7 = arith.addi %scan3A_5, %scan3A_6 : i32
      %scan3A_8 = arith.constant 1 : i32
      %scan3A_9 = scf.for %scan3A_18 = %scan3A_5 to %scan3A_7 step %scan3A_8 iter_args(%scan3A_19 = %scan3A) -> (i32)  : i32 {
        %mul3A = arith.constant 16 : i32
        %mul3A_20 = arith.muli %scan3A_18, %mul3A : i32
        %swap3A = arith.index_cast %mul3A_20 : i32 to index
        %swap3A_21 = tpu.vector_load %arg7[%swap3A] {strides = array<i32>} : memref<8192xf32, #tpu.memory_space<vmem>>, vector<16xf32>,
        tpu.vector_store %arg7[%swap3A], %broadcast_in_dim3A_4 {strides = array<i32>} : memref<8192xf32, #tpu.memory_space<vmem>>, vector<16xf32>,
        %scan3A_22 = arith.constant 0 : i32
        scf.yield %scan3A_22 : i32
      }
      %scan3A_10 = arith.constant 512 : i32
      %scan3A_11 = arith.constant 0 : i32
      %scan3A_12 = arith.constant 0 : i32
      %scan3A_13 = arith.constant 128 : i32
      %scan3A_14 = arith.addi %scan3A_12, %scan3A_13 : i32
      %scan3A_15 = arith.constant 1 : i32
      %scan3A_16 = scf.for %scan3A_18 = %scan3A_12 to %scan3A_14 step %scan3A_15 iter_args(%scan3A_19 = %scan3A_11) -> (i32)  : i32 {
        %mul3A = arith.constant 16 : i32
        %mul3A_20 = arith.muli %scan3A_18, %mul3A : i32
        %get3A = arith.index_cast %mul3A_20 : i32 to index
        %get3A_21 = tpu.vector_load %arg5[%get3A] {strides = array<i32>} : memref<2048xi32, #tpu.memory_space<vmem>>, vector<16xi32>,
        %mul3A_22 = arith.constant 16 : i32
        %mul3A_23 = arith.muli %scan3A_18, %mul3A_22 : i32
        %get3A_24 = arith.index_cast %mul3A_23 : i32 to index
        %get3A_25 = tpu.vector_load %arg6[%get3A_24] {strides = array<i32>} : memref<2048xf32, #tpu.memory_space<vmem>>, vector<16xf32>,
        %mul3A_26 = arith.constant 16 : i32
        %mul3A_27 = arith.muli %scan3A_18, %mul3A_26 : i32
        %add3A = vector.broadcast %mul3A_27 : i32 to vector<16xi32>
        %add3A_28 = arith.addi %iota3A, %add3A : vector<16xi32>
        %and3A_29 = arith.constant 1023 : i32
        %and3A_30 = vector.broadcast %and3A_29 : i32 to vector<16xi32>
        %and3A_31 = arith.andi %add3A_28, %and3A_30 : vector<16xi32>
        %mul3A_32 = arith.constant 8 : i32
        %mul3A_33 = vector.broadcast %mul3A_32 : i32 to vector<16xi32>
        %mul3A_34 = arith.muli %and3A_31, %mul3A_33 : vector<16xi32>
        %add3A_35 = arith.addi %mul3A_34, %get3A_21 : vector<16xi32>
        tpu.vector_store_idx %arg7[%add3A_35], %get3A_25 : memref<8192xf32, #tpu.memory_space<vmem>>[vector<16xi32>], vector<16xf32>,
        %scan3A_36 = arith.constant 0 : i32
        scf.yield %scan3A_36 : i32
      }
      %scan3A_17 = arith.constant 128 : i32
      "tpu.region"() ({
        %run_scoped3A = tpu.sem_alloc : memref<!tpu.dma_semaphore, #tpu.memory_space<semaphore_mem>>
        tpu.enqueue_dma source(%arg7 : memref<8192xf32, #tpu.memory_space<vmem>>) target(%arg4 : memref<8192xf32, #tpu.memory_space<hbm>>) target_semaphore(%run_scoped3A : memref<!tpu.dma_semaphore, #tpu.memory_space<semaphore_mem>>)
        tpu.wait_dma2 semaphore(%run_scoped3A : memref<!tpu.dma_semaphore, #tpu.memory_space<semaphore_mem>>) src(%arg7 : memref<8192xf32, #tpu.memory_space<vmem>>) dst(%arg4 : memref<8192xf32, #tpu.memory_space<hbm>>)
        tpu.yield
      }) : () -> ()
    } else {
    }
    return
  }
}

module attributes {stable_mosaic.version = 14 : i64} {
  func.func @_router_body(%arg0: memref<1024x768xf32, #tpu.memory_space<vmem>>, %arg1: memref<8x768xf32, #tpu.memory_space<vmem>>, %arg2: memref<2x1024xi32, #tpu.memory_space<vmem>>, %arg3: memref<2x1024xf32, #tpu.memory_space<vmem>>) attributes {dimension_semantics = [], scalar_prefetch = 0 : i64, scratch_operands = 0 : i64, tpu.core_type = #tpu.core_type<tc>} {
    %get3A = arith.constant 0 : index
    %get3A_0 = arith.constant 0 : index
    %get3A_1 = vector.load %arg0[%get3A, %get3A_0] : memref<1024x768xf32, #tpu.memory_space<vmem>>, vector<1024x768xf32>
    %get3A_2 = arith.constant 0 : index
    %get3A_3 = arith.constant 0 : index
    %get3A_4 = vector.load %arg1[%get3A_2, %get3A_3] : memref<8x768xf32, #tpu.memory_space<vmem>>, vector<8x768xf32>
    %dot_general3A = arith.constant dense<0.000000e+00> : vector<1024x8xf32>
    %dot_general3A_5 = tpu.matmul %get3A_1, %get3A_4, %dot_general3A {dimension_numbers = #tpu.dot_dimension_numbers<[1], [1], [0], [0], [0, 0, 1, 0], [], []>, transpose_lhs_hint = false} : vector<1024x768xf32>, vector<8x768xf32>, vector<1024x8xf32> -> vector<1024x8xf32>
    %reduce_max3A = arith.constant dense<0xFF800000> : vector<1024xf32>
    %reduce_max3A_6 = vector.multi_reduction <maximumf>, %dot_general3A_5, %reduce_max3A [1] : vector<1024x8xf32> to vector<1024xf32>
    %max3A = arith.constant 0xFF800000 : f32
    %max3A_7 = vector.broadcast %max3A : f32 to vector<1024xf32>
    %max3A_8 = arith.maximumf %max3A_7, %reduce_max3A_6 : vector<1024xf32>
    %broadcast_in_dim3A = vector.shape_cast %max3A_8 : vector<1024xf32> to vector<1024x1xf32>
    %sub3A = vector.broadcast %broadcast_in_dim3A : vector<1024x1xf32> to vector<1024x8xf32>
    %sub3A_9 = arith.subf %dot_general3A_5, %sub3A : vector<1024x8xf32>
    %exp3A = math.exp %sub3A_9 : vector<1024x8xf32>
    %reduce_sum3A = arith.constant dense<0.000000e+00> : vector<1024xf32>
    %reduce_sum3A_10 = vector.multi_reduction <add>, %exp3A, %reduce_sum3A [1] : vector<1024x8xf32> to vector<1024xf32>
    %broadcast_in_dim3A_11 = vector.shape_cast %reduce_sum3A_10 : vector<1024xf32> to vector<1024x1xf32>
    %div3A = vector.broadcast %broadcast_in_dim3A_11 : vector<1024x1xf32> to vector<1024x8xf32>
    %div3A_12 = arith.divf %exp3A, %div3A : vector<1024x8xf32>
    %argmax3A = tpu.reduce_index %div3A_12 {axis = 1 : i32, kind = #tpu.reduction_kind<arg_max>} : vector<1024x8xf32> -> vector<1024xi32>
    %reduce_max3A_13 = arith.constant dense<0xFF800000> : vector<1024xf32>
    %reduce_max3A_14 = vector.multi_reduction <maximumf>, %div3A_12, %reduce_max3A_13 [1] : vector<1024x8xf32> to vector<1024xf32>
    %iota3A = tpu.iota {dimensions = array<i32: 1>} : vector<1024x8xi32>
    %broadcast_in_dim3A_15 = vector.shape_cast %argmax3A : vector<1024xi32> to vector<1024x1xi32>
    %eq3A = vector.broadcast %broadcast_in_dim3A_15 : vector<1024x1xi32> to vector<1024x8xi32>
    %eq3A_16 = arith.cmpi eq, %iota3A, %eq3A : vector<1024x8xi32>
    %jit3A = arith.constant 0xFF800000 : f32
    %broadcast_in_dim3A_17 = vector.broadcast %jit3A : f32 to vector<1024x8xf32>
    %select_n3A = arith.select %eq3A_16, %broadcast_in_dim3A_17, %div3A_12 : vector<1024x8xi1>, vector<1024x8xf32>
    %argmax3A_18 = tpu.reduce_index %select_n3A {axis = 1 : i32, kind = #tpu.reduction_kind<arg_max>} : vector<1024x8xf32> -> vector<1024xi32>
    %reduce_max3A_19 = arith.constant dense<0xFF800000> : vector<1024xf32>
    %reduce_max3A_20 = vector.multi_reduction <maximumf>, %select_n3A, %reduce_max3A_19 [1] : vector<1024x8xf32> to vector<1024xf32>
    %add3A = arith.addf %reduce_max3A_14, %reduce_max3A_20 : vector<1024xf32>
    %swap3A = arith.constant 0 : index
    %swap3A_21 = arith.constant 0 : index
    %swap3A_22 = vector.load %arg2[%swap3A, %swap3A_21] : memref<2x1024xi32, #tpu.memory_space<vmem>>, vector<1x1024xi32>
    %swap3A_23 = vector.shape_cast %swap3A_22 : vector<1x1024xi32> to vector<1024xi32>
    %swap3A_24 = vector.shape_cast %argmax3A : vector<1024xi32> to vector<1x1024xi32>
    tpu.vector_store %arg2[%swap3A, %swap3A_21], %swap3A_24 {strides = array<i32>} : memref<2x1024xi32, #tpu.memory_space<vmem>>, vector<1x1024xi32>,
    %swap3A_25 = arith.constant 1 : index
    %swap3A_26 = arith.constant 0 : index
    %swap3A_27 = vector.load %arg2[%swap3A_25, %swap3A_26] : memref<2x1024xi32, #tpu.memory_space<vmem>>, vector<1x1024xi32>
    %swap3A_28 = vector.shape_cast %swap3A_27 : vector<1x1024xi32> to vector<1024xi32>
    %swap3A_29 = vector.shape_cast %argmax3A_18 : vector<1024xi32> to vector<1x1024xi32>
    tpu.vector_store %arg2[%swap3A_25, %swap3A_26], %swap3A_29 {strides = array<i32>} : memref<2x1024xi32, #tpu.memory_space<vmem>>, vector<1x1024xi32>,
    %div3A_30 = arith.divf %reduce_max3A_14, %add3A : vector<1024xf32>
    %swap3A_31 = arith.constant 0 : index
    %swap3A_32 = arith.constant 0 : index
    %swap3A_33 = vector.load %arg3[%swap3A_31, %swap3A_32] : memref<2x1024xf32, #tpu.memory_space<vmem>>, vector<1x1024xf32>
    %swap3A_34 = vector.shape_cast %swap3A_33 : vector<1x1024xf32> to vector<1024xf32>
    %swap3A_35 = vector.shape_cast %div3A_30 : vector<1024xf32> to vector<1x1024xf32>
    tpu.vector_store %arg3[%swap3A_31, %swap3A_32], %swap3A_35 {strides = array<i32>} : memref<2x1024xf32, #tpu.memory_space<vmem>>, vector<1x1024xf32>,
    %div3A_36 = arith.divf %reduce_max3A_20, %add3A : vector<1024xf32>
    %swap3A_37 = arith.constant 1 : index
    %swap3A_38 = arith.constant 0 : index
    %swap3A_39 = vector.load %arg3[%swap3A_37, %swap3A_38] : memref<2x1024xf32, #tpu.memory_space<vmem>>, vector<1x1024xf32>
    %swap3A_40 = vector.shape_cast %swap3A_39 : vector<1x1024xf32> to vector<1024xf32>
    %swap3A_41 = vector.shape_cast %div3A_36 : vector<1024xf32> to vector<1x1024xf32>
    tpu.vector_store %arg3[%swap3A_37, %swap3A_38], %swap3A_41 {strides = array<i32>} : memref<2x1024xf32, #tpu.memory_space<vmem>>, vector<1x1024xf32>,
    return
  }
}

module attributes {stable_mosaic.version = 14 : i64} {
  func.func @_dense_body(%arg0: i32, %arg1: memref<1024x768xbf16, #tpu.memory_space<vmem>>, %arg2: memref<1024x8xf32, #tpu.memory_space<vmem>>, %arg3: memref<1x768x768xf32, #tpu.memory_space<vmem>>, %arg4: memref<1x768x768xf32, #tpu.memory_space<vmem>>, %arg5: memref<1x3072x768xf32, #tpu.memory_space<vmem>>, %arg6: memref<1024x3072xf32, #tpu.memory_space<vmem>>) attributes {dimension_semantics = [#tpu.dimension_semantics<arbitrary>], iteration_bounds = array<i64: 8>, scalar_prefetch = 0 : i64, scratch_operands = 0 : i64, tpu.core_type = #tpu.core_type<tc>, window_params = [{pipeline_mode = #tpu.pipeline_mode<synchronous>, transform_indices = @transform_0, window_bounds = array<i64: 1024, 768>}, {pipeline_mode = #tpu.pipeline_mode<synchronous>, transform_indices = @transform_1, window_bounds = array<i64: 1024, 8>}, {transform_indices = @transform_2, window_bounds = array<i64: 1, 768, 768>}, {transform_indices = @transform_3, window_bounds = array<i64: 1, 768, 768>}, {transform_indices = @transform_4, window_bounds = array<i64: 1, 3072, 768>}, {pipeline_mode = #tpu.pipeline_mode<synchronous>, transform_indices = @transform_5, window_bounds = array<i64: 1024, 3072>}]} {
    %get3A = arith.constant 0 : index
    %get3A_0 = arith.constant 0 : index
    %get3A_1 = arith.constant 0 : index
    %get3A_2 = vector.load %arg3[%get3A, %get3A_0, %get3A_1] : memref<1x768x768xf32, #tpu.memory_space<vmem>>, vector<1x768x768xf32>
    %get3A_3 = vector.shape_cast %get3A_2 : vector<1x768x768xf32> to vector<768x768xf32>
    %convert_element_type3A = arith.truncf %get3A_3 : vector<768x768xf32> to vector<768x768xbf16>
    %get3A_4 = arith.constant 0 : index
    %get3A_5 = arith.constant 0 : index
    %get3A_6 = arith.constant 0 : index
    %get3A_7 = vector.load %arg4[%get3A_4, %get3A_5, %get3A_6] : memref<1x768x768xf32, #tpu.memory_space<vmem>>, vector<1x768x768xf32>
    %get3A_8 = vector.shape_cast %get3A_7 : vector<1x768x768xf32> to vector<768x768xf32>
    %convert_element_type3A_9 = arith.truncf %get3A_8 : vector<768x768xf32> to vector<768x768xbf16>
    %get3A_10 = arith.constant 0 : index
    %get3A_11 = arith.constant 0 : index
    %get3A_12 = arith.constant 0 : index
    %get3A_13 = vector.load %arg5[%get3A_10, %get3A_11, %get3A_12] : memref<1x3072x768xf32, #tpu.memory_space<vmem>>, vector<1x3072x768xf32>
    %get3A_14 = vector.shape_cast %get3A_13 : vector<1x3072x768xf32> to vector<3072x768xf32>
    %convert_element_type3A_15 = arith.truncf %get3A_14 : vector<3072x768xf32> to vector<3072x768xbf16>
    %get3A_16 = arith.constant 0 : index
    %get3A_17 = arith.constant 0 : index
    %get3A_18 = vector.load %arg1[%get3A_16, %get3A_17] : memref<1024x768xbf16, #tpu.memory_space<vmem>>, vector<1024x768xbf16>
    %dot_general3A = arith.constant dense<0.000000e+00> : vector<1024x768xf32>
    %dot_general3A_19 = tpu.matmul %get3A_18, %convert_element_type3A, %dot_general3A {dimension_numbers = #tpu.dot_dimension_numbers<[1], [1], [0], [0], [0, 0, 1, 0], [], []>, transpose_lhs_hint = false} : vector<1024x768xbf16>, vector<768x768xbf16>, vector<1024x768xf32> -> vector<1024x768xf32>
    %max3A = arith.constant 0.000000e+00 : f32
    %max3A_20 = vector.broadcast %max3A : f32 to vector<1024x768xf32>
    %max3A_21 = arith.maximumf %dot_general3A_19, %max3A_20 : vector<1024x768xf32>
    %convert_element_type3A_22 = arith.truncf %max3A_21 : vector<1024x768xf32> to vector<1024x768xbf16>
    %dot_general3A_23 = arith.constant dense<0.000000e+00> : vector<1024x768xf32>
    %dot_general3A_24 = tpu.matmul %convert_element_type3A_22, %convert_element_type3A_9, %dot_general3A_23 {dimension_numbers = #tpu.dot_dimension_numbers<[1], [1], [0], [0], [0, 0, 1, 0], [], []>, transpose_lhs_hint = false} : vector<1024x768xbf16>, vector<768x768xbf16>, vector<1024x768xf32> -> vector<1024x768xf32>
    %max3A_25 = arith.constant 0.000000e+00 : f32
    %max3A_26 = vector.broadcast %max3A_25 : f32 to vector<1024x768xf32>
    %max3A_27 = arith.maximumf %dot_general3A_24, %max3A_26 : vector<1024x768xf32>
    %get3A_28 = arith.constant 0 : index
    %get3A_29 = arith.constant 0 : index
    %get3A_30 = vector.load %arg2[%get3A_28, %get3A_29] : memref<1024x8xf32, #tpu.memory_space<vmem>>, vector<1024x8xf32>
    %iota3A = tpu.iota {dimensions = array<i32: 1>} : vector<1024x8xi32>
    %eq3A = vector.broadcast %arg0 : i32 to vector<1024x8xi32>
    %eq3A_31 = arith.cmpi eq, %iota3A, %eq3A : vector<1024x8xi32>
    %jit3A = arith.constant 0.000000e+00 : f32
    %broadcast_in_dim3A = vector.broadcast %jit3A : f32 to vector<1024x8xf32>
    %select_n3A = arith.select %eq3A_31, %get3A_30, %broadcast_in_dim3A : vector<1024x8xi1>, vector<1024x8xf32>
    %reduce_sum3A = arith.constant dense<0.000000e+00> : vector<1024xf32>
    %reduce_sum3A_32 = vector.multi_reduction <add>, %select_n3A, %reduce_sum3A [1] : vector<1024x8xf32> to vector<1024xf32>
    %broadcast_in_dim3A_33 = vector.shape_cast %reduce_sum3A_32 : vector<1024xf32> to vector<1024x1xf32>
    %mul3A = vector.broadcast %broadcast_in_dim3A_33 : vector<1024x1xf32> to vector<1024x768xf32>
    %mul3A_34 = arith.mulf %max3A_27, %mul3A : vector<1024x768xf32>
    %convert_element_type3A_35 = arith.truncf %mul3A_34 : vector<1024x768xf32> to vector<1024x768xbf16>
    %dot_general3A_36 = arith.constant dense<0.000000e+00> : vector<1024x3072xf32>
    %dot_general3A_37 = tpu.matmul %convert_element_type3A_35, %convert_element_type3A_15, %dot_general3A_36 {dimension_numbers = #tpu.dot_dimension_numbers<[1], [1], [0], [0], [0, 0, 1, 0], [], []>, transpose_lhs_hint = false} : vector<1024x768xbf16>, vector<3072x768xbf16>, vector<1024x3072xf32> -> vector<1024x3072xf32>
    %eq3A_38 = arith.constant 0 : i32
    %eq3A_39 = arith.cmpi eq, %arg0, %eq3A_38 : i32
    %convert_element_type3A_40 = arith.extui %eq3A_39 : i1 to i32
    %cond3A = arith.constant 0 : i32
    %cond3A_41 = arith.cmpi ne, %convert_element_type3A_40, %cond3A : i32
    scf.if %cond3A_41 {
      %swap3A = arith.constant 0 : index
      %swap3A_46 = arith.constant 0 : index
      %swap3A_47 = vector.load %arg6[%swap3A, %swap3A_46] : memref<1024x3072xf32, #tpu.memory_space<vmem>>, vector<1024x3072xf32>
      tpu.vector_store %arg6[%swap3A, %swap3A_46], %dot_general3A_37 {strides = array<i32>} : memref<1024x3072xf32, #tpu.memory_space<vmem>>, vector<1024x3072xf32>,
    } else {
    }
    %ne3A = arith.constant 0 : i32
    %ne3A_42 = arith.cmpi ne, %arg0, %ne3A : i32
    %convert_element_type3A_43 = arith.extui %ne3A_42 : i1 to i32
    %cond3A_44 = arith.constant 0 : i32
    %cond3A_45 = arith.cmpi ne, %convert_element_type3A_43, %cond3A_44 : i32
    scf.if %cond3A_45 {
      %get3A_46 = arith.constant 0 : index
      %get3A_47 = arith.constant 0 : index
      %get3A_48 = vector.load %arg6[%get3A_46, %get3A_47] : memref<1024x3072xf32, #tpu.memory_space<vmem>>, vector<1024x3072xf32>
      %add3A = arith.addf %get3A_48, %dot_general3A_37 : vector<1024x3072xf32>
      %swap3A = arith.constant 0 : index
      %swap3A_49 = arith.constant 0 : index
      %swap3A_50 = vector.load %arg6[%swap3A, %swap3A_49] : memref<1024x3072xf32, #tpu.memory_space<vmem>>, vector<1024x3072xf32>
      tpu.vector_store %arg6[%swap3A, %swap3A_49], %add3A {strides = array<i32>} : memref<1024x3072xf32, #tpu.memory_space<vmem>>, vector<1024x3072xf32>,
    } else {
    }
    return
  }
  func.func @transform_0(%arg0: i32) -> (i32, i32) {
    %c0_i32 = arith.constant 0 : i32
    %c0_i32_0 = arith.constant 0 : i32
    %c0_i32_1 = arith.constant 0 : i32
    return %c0_i32, %c0_i32_0 : i32, i32
  }
  func.func @transform_1(%arg0: i32) -> (i32, i32) {
    %c0_i32 = arith.constant 0 : i32
    %c0_i32_0 = arith.constant 0 : i32
    %c0_i32_1 = arith.constant 0 : i32
    return %c0_i32, %c0_i32_0 : i32, i32
  }
  func.func @transform_2(%arg0: i32) -> (i32, i32, i32) {
    %c0_i32 = arith.constant 0 : i32
    %c0_i32_0 = arith.constant 0 : i32
    %c0_i32_1 = arith.constant 0 : i32
    return %arg0, %c0_i32, %c0_i32_0 : i32, i32, i32
  }
  func.func @transform_3(%arg0: i32) -> (i32, i32, i32) {
    %c0_i32 = arith.constant 0 : i32
    %c0_i32_0 = arith.constant 0 : i32
    %c0_i32_1 = arith.constant 0 : i32
    return %arg0, %c0_i32, %c0_i32_0 : i32, i32, i32
  }
  func.func @transform_4(%arg0: i32) -> (i32, i32, i32) {
    %c0_i32 = arith.constant 0 : i32
    %c0_i32_0 = arith.constant 0 : i32
    %c0_i32_1 = arith.constant 0 : i32
    return %arg0, %c0_i32, %c0_i32_0 : i32, i32, i32
  }
  func.func @transform_5(%arg0: i32) -> (i32, i32) {
    %c0_i32 = arith.constant 0 : i32
    %c0_i32_0 = arith.constant 0 : i32
    %c0_i32_1 = arith.constant 0 : i32
    return %c0_i32, %c0_i32_0 : i32, i32
  }
}

</mosaic_0001>

<sc_bundles>
// kernel: kernel.5.cloned.1.call-start
scs
__scs_entry_jumppad:
0x0: {  	(pc) =	sbr.rel $0x88, $3  }
0x1: {  	(tag) =	ssettag $0x0;
	lr =	simm.s32 $0x1  }
0x2: {  	[smem:$0x3F9C] =	sst lr;
	_ =	strace $0xD0000000  }
0x3: {  	_ = 	snop  }
0x4: {  	_ = 	snop  }
0x5: {  	_ = 	snop  }
0x6: {  	_ = 	snop  }
0x7: {  	_ = 	snop  }
__scs_overlays_trampoline_lowered:
0x8: {  	[smem:$0x3FAB] =	sst s0  }
0x9: {  	[smem:$0x3FAC] =	sst s1  }
0xa: {  	[smem:$0x3FAD] =	sst s2  }
0xb: {  	[smem:$0x3FAE] =	sst s3  }
0xc: {  	[smem:$0x3FAF] =	sst s4  }
0xd: {  	[smem:$0x3FB0] =	sst s5  }
0xe: {  	[smem:$0x3FB1] =	sst s6  }
0xf: {  	[smem:$0x3FB2] =	sst s7  }
0x10: {  	[smem:$0x3FB3] =	sst s8  }
0x11: {  	[smem:$0x3FB4] =	sst s9;
	s0 =	simm.s32 @!p0 $0x0  }
0x12: {  	s1 =	sld [smem:$0x3F9A];
	s0 =	simm.s32 @p0 $0x1  }
0x13: {  	[smem:$0x3FB5] =	sst s0;
	s0 =	simm.s32 @!p1 $0x0  }
0x14: {  	s2 =	sld [smem:$0x3F99];
	s0 =	simm.s32 @p1 $0x1  }
0x15: {  	[smem:$0x3FB6] =	sst s0;
	s0 =	simm.s32 @!p2 $0x0  }
0x16: {  	s3 =	sld [smem:$0x3FDB];
	s0 =	simm.s32 @p2 $0x1  }
0x17: {  	s4 =	simm.s32 $0x1BF5;
	[smem:$0x3FB8] =	sst s0  }
0x18: {  	s0 =	sld [smem:$0x3F9B];
	_ =	swait.ge [sflag:s4], $0x0  }
0x19: {  	s7 =	sld [smem:$0x3F9C]  }
0x1a: {  	s8 =	sadd.s32 $0xFFFFE003, lr  }
0x1b: {  	s9 =	sadd.s32 $0xFFFFFEF7, lr;
	s5 =	simm.s32 $0xFFFFFFFF;
	p2 =	slt.u32 s8, $0xFFFFF086  }
0x1c: {  	p1 =	slt.u32 s9, $0xF7A;
	s5 =	simm.s32 @!p2 $0x0  }
0x1d: {  	s5 =	simm.s32 @p1 $0x1;
	p0 =	seq.s32 s7, s2  }
0x1e: {  	s7 =	smul.u32 @!p0 $0xF7A, s2;
	p2 =	seq.s32 @!p0 s5, $0x0  }
0x1f: {  	s9 =	smul.u32 $0xF7A, s1;
	s8 =	simm.s32 @!p0 $0x1BF5;
	p2 =	por !p2, p0  }
0x20: {  	[sflag:s8] =	ssyncset.s32 @!p0 $0xFFFFF086;
	s6 =	sadd.s32 @!p0 s3, s7;
	s7 =	simm.s32 @!p0 $0x108  }
0x21: {  	s3 =	sadd.s32 s3, s9;
	s6 =	sadd.s32 @!p0 $0x88, s6;
	s7 =	simm.s32 @p2 $0x1082  }
0x22: {  	[simem:s7], [sflag:s8] =	dma.local @!p0 [hbm:s6], $0xF7A  }
0x23: {  	s9 =	sor.u32 $0xD0000000, s2;
	s6 =	simm.s32 $0x108;
	_ =	swait.ge @!p0 [sflag:s8], $0x0  }
0x24: {  	s3 =	sadd.s32 $0x88, s3;
	s6 =	simm.s32 @!p1 $0x1082;
	[sflag:s4] =	ssyncset.s32 $0xFFFFF086  }
0x25: {  	[simem:s6], [sflag:s4] =	dma.local [hbm:s3], $0xF7A  }
0x26: {  	[smem:$0x3F9C] =	sst s1;
	(tag) =	ssettag s2;
	_ =	strace s9  }
0x27: {  	s1 =	sld [smem:$0x3FAC]  }
0x28: {  	s2 =	sld [smem:$0x3FAD]  }
0x29: {  	s4 =	sld [smem:$0x3FAF]  }
0x2a: {  	p0 =	seq.s32 s5, $0x0;
	s5 =	sld [smem:$0x3FB0]  }
0x2b: {  	s6 =	sld [smem:$0x3FB1]  }
0x2c: {  	s7 =	sld [smem:$0x3FB2]  }
0x2d: {  	s3 =	simm.s32 $0x108;
	s8 =	sld [smem:$0x3FB3]  }
0x2e: {  	s3 =	simm.s32 @!p0 $0x1082;
	s9 =	sld [smem:$0x3FB4]  }
0x2f: {  	lr =	sadd.s32 s0, s3;
	s0 =	sld [smem:$0x3FAB]  }
0x30: {  	s3 =	sld [smem:$0x3FAE]  }
0x31: {  	[smem:$0x3FB7] =	sst s10  }
0x32: {  	s10 =	sld [smem:$0x3FB5];
	_ =	sdelay $0x3  }
0x33: {  	p0 =	seq.s32 s10, $0x1;
	s10 =	sld [smem:$0x3FB7];
	_ =	sdelay $0x3  }
0x34: {  	[smem:$0x3FB7] =	sst s10  }
0x35: {  	s10 =	sld [smem:$0x3FB6];
	_ =	sdelay $0x3  }
0x36: {  	p1 =	seq.s32 s10, $0x1;
	s10 =	sld [smem:$0x3FB7];
	_ =	sdelay $0x3  }
0x37: {  	[smem:$0x3FB7] =	sst s10  }
0x38: {  	s10 =	sld [smem:$0x3FB8]  }
0x39: {  	_ = 	snop;
	(pc) =	sbr.ind lr, $3  }
0x3a: {  	_ = 	snop  }
0x3b: {  	_ = 	snop  }
0x3c: {  	p2 =	seq.s32 s10, $0x1;
	s10 =	sld [smem:$0x3FB7]  }
0x3d: {  	_ =	shalt  }
0x3e: {  	_ =	shalt  }
0x3f: {  	_ =	shalt  }
0x40: {  	_ =	shalt  }
0x41: {  	_ =	shalt  }
0x42: {  	_ =	shalt  }
0x43: {  	_ =	shalt  }
0x44: {  	_ =	shalt  }
0x45: {  	_ =	shalt  }
0x46: {  	_ =	shalt  }
0x47: {  	_ =	shalt  }
0x48: {  	_ =	shalt  }
0x49: {  	_ =	shalt  }
0x4a: {  	_ =	shalt  }
0x4b: {  	_ =	shalt  }
0x4c: {  	_ =	shalt  }
0x4d: {  	_ =	shalt  }
0x4e: {  	_ =	shalt  }
0x4f: {  	_ =	shalt  }
0x50: {  	_ =	shalt  }
0x51: {  	_ =	shalt  }
0x52: {  	_ =	shalt  }
0x53: {  	_ =	shalt  }
0x54: {  	_ =	shalt  }
0x55: {  	_ =	shalt  }
0x56: {  	_ =	shalt  }
0x57: {  	_ =	shalt  }
0x58: {  	_ =	shalt  }
0x59: {  	_ =	shalt  }
0x5a: {  	_ =	shalt  }
0x5b: {  	_ =	shalt  }
0x5c: {  	_ =	shalt  }
0x5d: {  	_ =	shalt  }
0x5e: {  	_ =	shalt  }
0x5f: {  	_ =	shalt  }
0x60: {  	_ =	shalt  }
0x61: {  	_ =	shalt  }
0x62: {  	_ =	shalt  }
0x63: {  	_ =	shalt  }
0x64: {  	_ =	shalt  }
0x65: {  	_ =	shalt  }
0x66: {  	_ =	shalt  }
0x67: {  	_ =	shalt  }
0x68: {  	_ =	shalt  }
0x69: {  	_ =	shalt  }
0x6a: {  	_ =	shalt  }
0x6b: {  	_ =	shalt  }
0x6c: {  	_ =	shalt  }
0x6d: {  	_ =	shalt  }
0x6e: {  	_ =	shalt  }
0x6f: {  	_ =	shalt  }
0x70: {  	_ =	shalt  }
0x71: {  	_ =	shalt  }
0x72: {  	_ =	shalt  }
0x73: {  	_ =	shalt  }
0x74: {  	_ =	shalt  }
0x75: {  	_ =	shalt  }
0x76: {  	_ =	shalt  }
0x77: {  	_ =	shalt  }
0x78: {  	_ =	shalt  }
0x79: {  	_ =	shalt  }
0x7a: {  	_ =	shalt  }
0x7b: {  	_ =	shalt  }
0x7c: {  	_ =	shalt  }
0x7d: {  	_ =	shalt  }
0x7e: {  	_ =	shalt  }
0x7f: {  	_ =	shalt  }
0x80: {  	_ =	shalt  }
0x81: {  	_ =	shalt  }
0x82: {  	_ =	shalt  }
0x83: {  	_ =	shalt  }
0x84: {  	_ =	shalt  }
0x85: {  	_ =	shalt  }
0x86: {  	_ =	shalt  }
0x87: {  	_ =	shalt  }
.Lfunc_end0:
.L_simem_size_0:
called_computation_lowered:
.L_overlay_start_0:
0x88: {  	s2 =	sld [smem:$0x3FD9]  }
0x89: {  	s3 =	sld [smem:$0x3FFE];
	_ =	sdelay $0x1  }
0x8a: {  	s1 =	srdreg.scid  }
0x8b: {  	s0 =	sand.u32 $0x1, s1  }
0x8c: {  	s17 =	sshll.u32 s0, $0xA;
	s2 =	sadd.s32 s3, s2  }
0x8d: {  	s2 =	sadd.s32 s2, s17  }
0x8e: {  	[smem:$0x3FC3] =	sst s2  }
0x8f: {  	_ = 	snop  }
0x90: {  	s2 =	sld [smem:$0x3FD0];
	(tm) =	ssettm $0x1  }
0x91: {  	s18 =	sld [smem:$0x3FFB];
	_ =	sdelay $0x3  }
0x92: {  	_ =	strace s18  }
0x93: {  	s3 =	sld [smem:$0x3FFC];
	_ =	sdelay $0x3  }
0x94: {  	_ =	strace s3  }
0x95: {  	s3 =	sld [smem:$0x3FFD];
	_ =	sdelay $0x3  }
0x96: {  	_ =	strace s3  }
0x97: {  	_ =	strace $0x8FFFFFFF  }
0x98: {  	s19 =	sld [smem:$0x3FDB];
	_ =	sdelay $0x1  }
0x99: {  	s4 =	simm.s32 $_scs_section_size  }
0x9a: {  	s5 =	simm.s32 $_size__tile_overlayer_lowered;
	s6 =	simm.s32 $_tile_overlayer_lowered  }
0x9b: {  	s22 =	simm.s32 $0x1BFF;
	s21 =	sshll.u32 s6, $0x1;
	s3 =	sadd.s32 s4, s19  }
0x9c: {  	s7 =	simm.s32 $0x0;
	s20 =	sshll.u32 s5, $0x1;
	s5 =	sadd.s32 s21, s3  }
0x9d: {  	[timem:s7], [sflag:s22] =	dma.local [hbm:s5], s20  }
0x9e: {  	_ =	swait.ge [sflag:s22], s20  }
0x9f: {  	s4 =	ssub.s32 $0x0, s20;
	[sflag:s22] =	ssyncset.done $0x0  }
0xa0: {  	[sflag:s22] =	ssyncadd.s32 s4;
	_ =	sdelay $0x1  }
0xa1: {  	s23 =	simm.s32 $0x1B8B  }
0xa2: {  	_ =	swait.ge [sflag:s23], $0x1  }
0xa3: {  	[sflag:s23] =	ssyncset.done $0x0  }
0xa4: {  	s25 =	simm.s32 $0x1B8E;
	s24 =	sld [smem:$0x3FFE];
	[sflag:s23] =	ssyncadd.s32 $0xFFFFFFFF  }
0xa5: {  	s26 =	simm.s32 $execute0_lowered;
	[smem:$0x3FD2] =	sst s25  }
0xa6: {  	s5 =	sshll.u32 s26, $0x1;
	_ =	strace $0x80000046;
	[dreg:$0x1] =	wrdreg $0xFFFFFFFF  }
0xa7: {  	s28 =	simm.s32 $_size_execute0_lowered;
	s3 =	sadd.s32 s3, s5;
	[dreg:$0x0] =	wrdreg $0x0  }
0xa8: {  	s5 =	sshll.u32 s28, $0x1;
	[dreg:$0x2] =	wrdreg s3  }
0xa9: {  	[dreg:$0x3] =	wrdreg s5  }
0xaa: {  	[dreg:$0x4] =	wrdreg $0xC0  }
0xab: {  	_ =	task [dreg:s7], $0x5FFFF  }
0xac: {  	[dreg:$0x1] =	wrdreg $0xFFFFFFFF  }
0xad: {  	[dreg:$0x0] =	wrdreg $0x60  }
0xae: {  	[dreg:$0x2] =	wrdreg s24  }
0xaf: {  	[dreg:$0x3] =	wrdreg s2  }
0xb0: {  	[dreg:$0x4] =	wrdreg $0x9  }
0xb1: {  	_ =	task.clear_ibuf [dreg:s7], $0x5FFFF;
	_ =	strace $0x90000046  }
0xb2: {  	s29 =	simm.s32 $0x9;
	_ =	strace $0x80000048  }
0xb3: {  	_ =	swait.ge [sflag:s29], $0x1  }
0xb4: {  	[sflag:s29] =	ssyncadd.s32 $0xFFFFFFFF  }
0xb5: {  	_ =	strace $0x90000048  }
0xb6: {  	_ =	sfence  }
0xb7: {  	s30 =	sld [smem:$0x0];
	_ =	sdelay $0x2  }
0xb8: {  	s31 =	sshll.u32 s1, $0xD;
	s1 =	sshrl.u32 s1, $0x2  }
0xb9: {  	s3 =	sand.u32 $0x4000, s31;
	s1 =	sadd.s32 s1, s30  }
0xba: {  	s0 =	sor.u32 s3, s0;
	s1 =	sshll.u32 s1, $0x11  }
0xbb: {  	s0 =	sor.u32 s1, s0  }
0xbc: {  	s0 =	sadd.s32 $0x8F2B, s0  }
0xbd: {  	[sflag:s0] =	ssyncadd.remote.s32 $0x1  }
0xbe: {  	_ =	sfence.sel $0xFFFF  }
0xbf: {  	[dreg:$0x0] =	wrdreg $0xFFFFFFFF;
	(pc) =	sbr.abs _section_cstart, $3  }
0xc0: {  	[dreg:$0x1] =	wrdreg $0xFFFFFFFF  }
0xc1: {  	_ =	task.clear_ibuf [dreg:s7], $0x2FFFF;
	_ =	strace $0x9FFFFFFF  }
0xc2: {  	(tm) =	ssettm $0x7FFFFFFF  }
0xc3: {  	_ =	shalt  }
tec
execute0_lowered:
.L_overlay_start_1:
0x0: {  	(tag) =	ssettag $0x1  }
0x1: {  	s0 =	srdreg.scid  }
0x2: {  	s3 =	sand.u32 $0x1, s0;
	s0 =	stileid.u32  }
0x3: {  	s5 =	sor.u32 s0, s3  }
0x4: {  	p0 =	sne.s32 s5, $0x0  }
.Ltmp0:
0x5: {  	_ = 	snop;
	(pc) =	sbr.rel @p0 .LBB2_7-.Ltmp0, $4  }
0x6: {  	_ = 	snop  }
0x7: {  	s4 =	rddreg [dreg:$0x0]  }
0x8: {  	s2 =	rddreg [dreg:$0x1]  }
0x9: {  	s1 =	rddreg [dreg:$0x2];
	_ =	strace $0x80000047  }
0xa: {  	s5 =	ssub.s32 $0x2, s3  }
0xb: {  	s3 =	sadd.s32 $0xA00, s4;
	s4 =	sadd.s32 $0xC00, s4;
	s7 =	simm.s32 $0x1  }
0xc: {  	v1 =	vlaneseq.u32;
	s8 =	simm.s32 $0x800;
	s9 =	simm.s32 $0x1000;
	s6 =	sshrl.u32 s5, $0x1  }
0xd: {  	v0 =	vimm.f32 $0.0e+00;
	s10 =	simm.s32 $0x0;
	v1 =	vmul.u32 $0x8, v1;
	s5 =	ssub.s32 s5, s6;
	s6 =	simm.s32 $0x0  }
.LBB2_2:
0xe: {  	[tilespmem:s6], [sflag:$0x1] =	stream.linear.gather [hbm4b:s3+s6], $0x800, $0x38;
	[tilespmem:$0x3000] =	vst v63  }
0xf: {  	_ =	swait.ge [sflag:s7], $0x800  }
0x10: {  	[sflag:s7] =	ssyncset.done $0x0  }
0x11: {  	[sflag:s7] =	ssyncadd.s32 $0xFFFFF800  }
0x12: {  	[tilespmem:s8], [sflag:$0x1] =	stream.linear.gather [hbm4b:s4+s6], $0x800, $0x38;
	[tilespmem:$0x3000] =	vst v63  }
0x13: {  	_ =	swait.ge [sflag:s7], $0x800  }
0x14: {  	[sflag:s7] =	ssyncset.done $0x0  }
0x15: {  	s11 =	simm.s32 $0x0;
	[sflag:s7] =	ssyncadd.s32 $0xFFFFF800  }
.LBB2_3:
0x16: {  	p0 =	sne.s32 s11, $0x7FC0  }
.Ltmp1:
0x17: {  	_ = 	snop;
	(pc) =	sbr.rel @p0 .LBB2_3-.Ltmp1, $3  }
0x18: {  	_ =	sdelay $0x1  }
0x19: {  	s12 =	sshra.s32 s11, $0x2  }
0x1a: {  	s11 =	sadd.s32 $0x40, s11;
	[tilespmem:s12+$0x1000] =	vst v0  }
0x1b: {  	s11 =	simm.s32 $0x0  }
0x1c: {  	v2 =	vld [tilespmem:s11+$0x0]  }
0x1d: {  	v3 =	vmov s11  }
0x1e: {  	v3 =	vshll.u32 v3, $0x3  }
0x1f: {  	v3 =	vor.u32 v1, v3  }
0x20: {  	s11 =	simm.s32 $0x800;
	v3 =	vand.u32 $0x1FF8, v3  }
0x21: {  	v4 =	vld [tilespmem:s11+$0x0];
	v2 =	vadd.s32 v3, v2;
	_ =	sdelay $0x4  }
0x22: {  	s12 =	simm.s32 $0x10;
	[tilespmem:v2+s9+$0x0] =	vst.idx.msk $0xffff, v4  }
0x23: {  	s13 =	simm.s32 $0x20;
	s14 =	simm.s32 $0x10;
	v2 =	vld [tilespmem:s12+$0x0]  }
.LBB2_5:
0x24: {  	p0 =	sne.s32 s13, $0x7F0;
	v3 =	vmov s12;
	s12 =	smov.u32 s13  }
0x25: {  	v3 =	vshll.u32 v3, $0x3  }
0x26: {  	v3 =	vor.u32 v1, v3  }
0x27: {  	s11 =	sadd.s32 $0x10, s11;
	v3 =	vand.u32 $0x1FF8, v3  }
0x28: {  	v4 =	vld [tilespmem:s11+$0x0];
	v2 =	vadd.s32 v3, v2;
	_ =	sdelay $0x1  }
.Ltmp2:
0x29: {  	(pc) =	sbr.rel @p0 .LBB2_5-.Ltmp2, $3  }
0x2a: {  	_ =	sdelay $0x1  }
0x2b: {  	s14 =	sadd.s32 $0x10, s14;
	[tilespmem:v2+s9+$0x0] =	vst.idx.msk $0xffff, v4  }
0x2c: {  	s13 =	sadd.s32 $0x10, s13;
	v2 =	vld [tilespmem:s14+$0x0]  }
0x2d: {  	v3 =	vmov s12  }
0x2e: {  	v3 =	vshll.u32 v3, $0x3  }
0x2f: {  	v3 =	vor.u32 v1, v3  }
0x30: {  	s11 =	sadd.s32 $0x10, s11;
	v3 =	vand.u32 $0x1FF8, v3  }
0x31: {  	v4 =	vld [tilespmem:s11+$0x0];
	v2 =	vadd.s32 v3, v2;
	_ =	sdelay $0x2  }
0x32: {  	s10 =	sadd.s32 $0x1, s10  }
0x33: {  	p0 =	sne.s32 s10, s5  }
.Ltmp3:
0x34: {  	[tilespmem:v2+s9+$0x0] =	vst.idx.msk $0xffff, v4;
	(pc) =	sbr.rel @p0 .LBB2_2-.Ltmp3, $4  }
0x35: {  	[hbm4b:s2+s6] =	stream.linear.scatter [tilespmem:s9], [sflag:$0x1], $0x2000, $0x38;
	[tilespmem:$0x3000] =	vst v63  }
0x36: {  	_ =	swait.ge [sflag:s7], $0x2000  }
0x37: {  	[sflag:s7] =	ssyncset.done $0x0  }
0x38: {  	[sflag:s7] =	ssyncadd.s32 $0xFFFFE000  }
.LBB2_7:
0x39: {  	_ =	sfence.sel $0x180000  }
0x3a: {  	[bflag:$0x0] =	sbarrier.arrive $0xFFFF  }
0x3b: {  	p0 =	sne.s32 s0, $0x0;
	_ =	strace $0x90000047  }
0x3c: {  	s0 =	sadd.s32 @!p0 $0x100000, s1;
	[bflag:$0x2] =	sbarrier.arrive $0xFFFF  }
0x3d: {  	[sflag:s0] =	ssyncadd.tile.s32 @!p0 $0x1;
	_ =	shalt  }
.Lfunc_end2:
_tile_overlayer_lowered:
.L_overlay_start_2:
0x3e: {  	(tag) =	ssettag $0x2  }
0x3f: {  	s0 =	rddreg [dreg:$0x0];
	s2 =	stileid.u32  }
0x40: {  	s1 =	rddreg [dreg:$0x1];
	p0 =	sne.s32 s2, $0x0  }
0x41: {  	s3 =	rddreg [dreg:$0x2];
	[bflag:$0x3] =	sbarrier.arrive $0xFFFF;
	s2 =	simm.s32 @!p0 $0x1C01  }
0x42: {  	[timem:s3], [sflag:s2] =	dma.local @!p0 [hbm:s0], s1  }
0x43: {  	s0 =	simm.s32 @!p0 $0x1  }
0x44: {  	_ =	swait.ge @!p0 [sflag:s0], s1  }
0x45: {  	s1 =	ssub.s32 @!p0 $0x0, s1;
	[sflag:s0] =	ssyncset.done @!p0 $0x0  }
0x46: {  	[sflag:s0] =	ssyncadd.s32 @!p0 s1  }
0x47: {  	[bflag:$0x3] =	sbarrier.arrive $0xFFFF  }
0x48: {  	_ =	shalt  }

</sc_bundles>
